<compile_context>
chip_gen: v7x
topology: tpu7x:2x2x1
jax: 0.10.2.dev20260603
libtpu: 0.0.44.dev20260713+nightly
codegen_flags: <defaults>
</compile_context>

<pallas_src>
import functools

import jax
import jax.numpy as jnp
from jax import lax
from jax.experimental import pallas as pl
from jax.experimental.pallas import tpu as pltpu
from jax.experimental.pallas import tpu_sc as plsc

_EMBED = 64
_LANES = 16


def _dot_body(pe_t, ue_t, idx, out, idx_v, colp, colu, res, sem_p, sem_u):
    c = lax.axis_index("c")
    s = lax.axis_index("s")

    @pl.when((c == 0) & (s == 0))
    def _():
        pltpu.sync_copy(idx, idx_v)
        iv = idx_v[...]
        p = iv[0]
        u = iv[1]
        p_blk = pl.multiple_of((p >> 7) << 7, 128)
        u_blk = pl.multiple_of((u >> 7) << 7, 128)
        cp_p = pltpu.async_copy(pe_t.at[:, pl.ds(p_blk, 128)], colp, sem_p)
        cp_u = pltpu.async_copy(ue_t.at[:, pl.ds(u_blk, 128)], colu, sem_u)
        cp_p.wait()
        cp_u.wait()
        p_col = jnp.full((_LANES,), p & 127, jnp.int32)
        u_col = jnp.full((_LANES,), u & 127, jnp.int32)
        lanes16 = lax.iota(jnp.int32, _LANES)
        acc = jnp.zeros((_LANES,), jnp.float32)
        for k in range(_EMBED // _LANES):
            rows = lanes16 + (k * _LANES)
            acc = acc + (plsc.load_gather(colp, [rows, p_col]) *
                         plsc.load_gather(colu, [rows, u_col]))
        lane = lax.iota(jnp.int32, _LANES)
        for shift in (8, 4, 2, 1):
            partner = jnp.bitwise_xor(lane, shift)
            acc = acc + lax.gather(
                acc, partner[:, None],
                lax.GatherDimensionNumbers(offset_dims=(),
                                           collapsed_slice_dims=(0,),
                                           start_index_map=(0,)),
                slice_sizes=(1,),
                mode=lax.GatherScatterMode.PROMISE_IN_BOUNDS)
        res[...] = acc
        pltpu.sync_copy(res, out)


_sc_dot = functools.partial(
    pl.kernel,
    out_type=jax.ShapeDtypeStruct((_LANES,), jnp.float32),
    mesh=plsc.VectorSubcoreMesh(core_axis_name="c", subcore_axis_name="s",
                                num_cores=1),
    compiler_params=pltpu.CompilerParams(needs_layout_passes=False),
    scratch_types=[
        pltpu.VMEM((_LANES,), jnp.int32),
        pltpu.VMEM((_EMBED, 128), jnp.float32),
        pltpu.VMEM((_EMBED, 128), jnp.float32),
        pltpu.VMEM((_LANES,), jnp.float32),
        pltpu.SemaphoreType.DMA,
        pltpu.SemaphoreType.DMA,
    ],
)(_dot_body)


def kernel(product_embedding, user_embedding, product, user):
    idx = jnp.stack([jnp.asarray(product, jnp.int32),
                     jnp.asarray(user, jnp.int32)])
    idx = jnp.pad(idx, (0, _LANES - 2))
    out = _sc_dot(product_embedding.T, user_embedding.T, idx)
    return out[0]

# --- scband reference (transcript-rebuilt; emitter-appended) ---
"""Pipeline reference for scband-bandit-mfsquare-42296837931149 (READ-ONLY COPY).

The authoritative reference and input builder live on the scoring server;
editing this copy changes nothing except your own understanding.
"""

import jax, jax.numpy as jnp
import numpy as np

NUM_PRODUCTS = 100000
EMBED_DIM = 64


def setup_inputs(seed: int = 0) -> dict:
    key = jax.random.key(seed)
    k1, k2 = jax.random.split(key)
    # Learned parameters sized per init_kwargs (nn.Embedding default init ~ N(0,1))
    product_embedding = jax.random.normal(k1, (NUM_PRODUCTS, EMBED_DIM), dtype=jnp.float32)
    user_embedding = jax.random.normal(k2, (NUM_PRODUCTS, EMBED_DIM), dtype=jnp.float32)
    return {
        "product_embedding": product_embedding,
        "user_embedding": user_embedding,
        "product": 12345,
        "user": 678,
    }


def reference(product_embedding, user_embedding, product, user):
    # Faithful translation of BanditMFSquare.forward:
    #   product = Tensor([product]).long(); user = Tensor([user]).long()
    #   a = self.product_embedding(product).squeeze()
    #   b = self.user_embedding(user).squeeze()
    #   return torch.dot(a, b)
    p_idx = jnp.asarray([product], dtype=jnp.int32)
    u_idx = jnp.asarray([user], dtype=jnp.int32)
    a = jnp.take(product_embedding, p_idx, axis=0).squeeze()
    b = jnp.take(user_embedding, u_idx, axis=0).squeeze()
    return jnp.dot(a, b)

if __name__ == "__main__":
    import jax
    _d = setup_inputs()
    print(jax.jit(kernel)(*tuple(_d.values())))

</pallas_src>

<mosaic_0001>
#map = affine_map<(d0, d1) -> (0, 0)>
#map1 = affine_map<(d0, d1) -> (0)>
module attributes {stable_mosaic.version = 14 : i64} {
  func.func @_dot_body(%arg0: i32, %arg1: i32, %arg2: memref<64x100000xf32, #tpu.memory_space<hbm>>, %arg3: memref<64x100000xf32, #tpu.memory_space<hbm>>, %arg4: memref<16xi32, #tpu.memory_space<hbm>>, %arg5: memref<16xf32, #tpu.memory_space<hbm>>, %arg6: memref<16xi32, #tpu.memory_space<vmem>>, %arg7: memref<64x128xf32, #tpu.memory_space<vmem>>, %arg8: memref<64x128xf32, #tpu.memory_space<vmem>>, %arg9: memref<16xf32, #tpu.memory_space<vmem>>, %arg10: memref<!tpu.dma_semaphore, #tpu.memory_space<semaphore_mem>>, %arg11: memref<!tpu.dma_semaphore, #tpu.memory_space<semaphore_mem>>) attributes {dimension_semantics = [#tpu.dimension_semantics<core_parallel>, #tpu.dimension_semantics<subcore_parallel>], iteration_bounds = array<i64: 1, 16>, scalar_prefetch = 0 : i64, scratch_operands = 6 : i64, tpu.core_type = #tpu.core_type<sc_vector_subcore>, window_params = [{transform_indices = #map}, {transform_indices = #map}, {transform_indices = #map1}, {transform_indices = #map1}]} {
    %eq3A = arith.constant 0 : i32
    %eq3A_0 = arith.cmpi eq, %arg0, %eq3A : i32
    %eq3A_1 = arith.constant 0 : i32
    %eq3A_2 = arith.cmpi eq, %arg1, %eq3A_1 : i32
    %and3A = arith.andi %eq3A_0, %eq3A_2 : i1
    %convert_element_type3A = arith.extui %and3A : i1 to i32
    %cond3A = arith.constant 0 : i32
    %cond3A_3 = arith.cmpi ne, %convert_element_type3A, %cond3A : i32
    scf.if %cond3A_3 {
      "tpu.region"() ({
        %run_scoped3A = tpu.sem_alloc : memref<!tpu.dma_semaphore, #tpu.memory_space<semaphore_mem>>
        tpu.enqueue_dma source(%arg4 : memref<16xi32, #tpu.memory_space<hbm>>) target(%arg6 : memref<16xi32, #tpu.memory_space<vmem>>) target_semaphore(%run_scoped3A : memref<!tpu.dma_semaphore, #tpu.memory_space<semaphore_mem>>)
        tpu.wait_dma2 semaphore(%run_scoped3A : memref<!tpu.dma_semaphore, #tpu.memory_space<semaphore_mem>>) src(%arg4 : memref<16xi32, #tpu.memory_space<hbm>>) dst(%arg6 : memref<16xi32, #tpu.memory_space<vmem>>)
        tpu.yield
      }) : () -> ()
      %get3A = arith.constant 0 : index
      %get3A_4 = tpu.vector_load %arg6[%get3A] {strides = array<i32>} : memref<16xi32, #tpu.memory_space<vmem>>, vector<16xi32>,
      %slice3A = vector.extract_strided_slice %get3A_4 {offsets = [0], sizes = [1], strides = [1]} : vector<16xi32> to vector<1xi32>
      %squeeze3A = vector.extract %slice3A[0] : i32 from vector<1xi32>
      %slice3A_5 = vector.extract_strided_slice %get3A_4 {offsets = [1], sizes = [1], strides = [1]} : vector<16xi32> to vector<1xi32>
      %squeeze3A_6 = vector.extract %slice3A_5[0] : i32 from vector<1xi32>
      %shift_right_arithmetic3A = arith.constant 7 : i32
      %shift_right_arithmetic3A_7 = arith.shrsi %squeeze3A, %shift_right_arithmetic3A : i32
      %shift_left3A = arith.constant 7 : i32
      %shift_left3A_8 = arith.shli %shift_right_arithmetic3A_7, %shift_left3A : i32
      %multiple_of3A = tpu.assume_multiple %shift_left3A_8, 128 : i32
      %shift_right_arithmetic3A_9 = arith.constant 7 : i32
      %shift_right_arithmetic3A_10 = arith.shrsi %squeeze3A_6, %shift_right_arithmetic3A_9 : i32
      %shift_left3A_11 = arith.constant 7 : i32
      %shift_left3A_12 = arith.shli %shift_right_arithmetic3A_10, %shift_left3A_11 : i32
      %multiple_of3A_13 = tpu.assume_multiple %shift_left3A_12, 128 : i32
      %dma_start3A = arith.constant 0 : i32
      %dma_start3A_14 = tpu.memref_slice %arg2[%dma_start3A, %multiple_of3A] : memref<64x100000xf32, #tpu.memory_space<hbm>> -> memref<64x128xf32, #tpu.memory_space<hbm>>
      %dma_start3A_15 = arith.constant 0 : i32
      %dma_start3A_16 = tpu.memref_slice %arg2[%dma_start3A_15, %multiple_of3A] : memref<64x100000xf32, #tpu.memory_space<hbm>> -> memref<64x128xf32, #tpu.memory_space<hbm>>
      tpu.enqueue_dma source(%dma_start3A_16 : memref<64x128xf32, #tpu.memory_space<hbm>>) target(%arg7 : memref<64x128xf32, #tpu.memory_space<vmem>>) target_semaphore(%arg10 : memref<!tpu.dma_semaphore, #tpu.memory_space<semaphore_mem>>)
      %dma_start3A_17 = arith.constant 0 : i32
      %dma_start3A_18 = tpu.memref_slice %arg3[%dma_start3A_17, %multiple_of3A_13] : memref<64x100000xf32, #tpu.memory_space<hbm>> -> memref<64x128xf32, #tpu.memory_space<hbm>>
      %dma_start3A_19 = arith.constant 0 : i32
      %dma_start3A_20 = tpu.memref_slice %arg3[%dma_start3A_19, %multiple_of3A_13] : memref<64x100000xf32, #tpu.memory_space<hbm>> -> memref<64x128xf32, #tpu.memory_space<hbm>>
      tpu.enqueue_dma source(%dma_start3A_20 : memref<64x128xf32, #tpu.memory_space<hbm>>) target(%arg8 : memref<64x128xf32, #tpu.memory_space<vmem>>) target_semaphore(%arg11 : memref<!tpu.dma_semaphore, #tpu.memory_space<semaphore_mem>>)
      %dma_wait3A = arith.constant 0 : i32
      %dma_wait3A_21 = tpu.memref_slice %arg2[%dma_wait3A, %multiple_of3A] : memref<64x100000xf32, #tpu.memory_space<hbm>> -> memref<64x128xf32, #tpu.memory_space<hbm>>
      %dma_wait3A_22 = arith.constant 0 : i32
      %dma_wait3A_23 = tpu.memref_slice %arg2[%dma_wait3A_22, %multiple_of3A] : memref<64x100000xf32, #tpu.memory_space<hbm>> -> memref<64x128xf32, #tpu.memory_space<hbm>>
      tpu.wait_dma2 semaphore(%arg10 : memref<!tpu.dma_semaphore, #tpu.memory_space<semaphore_mem>>) src(%dma_wait3A_23 : memref<64x128xf32, #tpu.memory_space<hbm>>) dst(%arg7 : memref<64x128xf32, #tpu.memory_space<vmem>>)
      %dma_wait3A_24 = arith.constant 0 : i32
      %dma_wait3A_25 = tpu.memref_slice %arg3[%dma_wait3A_24, %multiple_of3A_13] : memref<64x100000xf32, #tpu.memory_space<hbm>> -> memref<64x128xf32, #tpu.memory_space<hbm>>
      %dma_wait3A_26 = arith.constant 0 : i32
      %dma_wait3A_27 = tpu.memref_slice %arg3[%dma_wait3A_26, %multiple_of3A_13] : memref<64x100000xf32, #tpu.memory_space<hbm>> -> memref<64x128xf32, #tpu.memory_space<hbm>>
      tpu.wait_dma2 semaphore(%arg11 : memref<!tpu.dma_semaphore, #tpu.memory_space<semaphore_mem>>) src(%dma_wait3A_27 : memref<64x128xf32, #tpu.memory_space<hbm>>) dst(%arg8 : memref<64x128xf32, #tpu.memory_space<vmem>>)
      %and3A_28 = arith.constant 127 : i32
      %and3A_29 = arith.andi %squeeze3A, %and3A_28 : i32
      %broadcast_in_dim3A = vector.broadcast %and3A_29 : i32 to vector<16xi32>
      %and3A_30 = arith.constant 127 : i32
      %and3A_31 = arith.andi %squeeze3A_6, %and3A_30 : i32
      %broadcast_in_dim3A_32 = vector.broadcast %and3A_31 : i32 to vector<16xi32>
      %iota3A = tpu.iota {dimensions = array<i32: 0>} : vector<16xi32>
      %broadcast_in_dim3A_33 = arith.constant 0.000000e+00 : f32
      %broadcast_in_dim3A_34 = vector.broadcast %broadcast_in_dim3A_33 : f32 to vector<16xf32>
      %add3A = arith.constant 0 : i32
      %add3A_35 = vector.broadcast %add3A : i32 to vector<16xi32>
      %add3A_36 = arith.addi %iota3A, %add3A_35 : vector<16xi32>
      %gather3A = tpu.vector_load_idx %arg7[%add3A_36, %broadcast_in_dim3A] : memref<64x128xf32, #tpu.memory_space<vmem>>[vector<16xi32>, vector<16xi32>], vector<16xf32>,
      %gather3A_37 = tpu.vector_load_idx %arg8[%add3A_36, %broadcast_in_dim3A_32] : memref<64x128xf32, #tpu.memory_space<vmem>>[vector<16xi32>, vector<16xi32>], vector<16xf32>,
      %mul3A = arith.mulf %gather3A, %gather3A_37 : vector<16xf32>
      %add3A_38 = arith.addf %broadcast_in_dim3A_34, %mul3A : vector<16xf32>
      %add3A_39 = arith.constant 16 : i32
      %add3A_40 = vector.broadcast %add3A_39 : i32 to vector<16xi32>
      %add3A_41 = arith.addi %iota3A, %add3A_40 : vector<16xi32>
      %gather3A_42 = tpu.vector_load_idx %arg7[%add3A_41, %broadcast_in_dim3A] : memref<64x128xf32, #tpu.memory_space<vmem>>[vector<16xi32>, vector<16xi32>], vector<16xf32>,
      %gather3A_43 = tpu.vector_load_idx %arg8[%add3A_41, %broadcast_in_dim3A_32] : memref<64x128xf32, #tpu.memory_space<vmem>>[vector<16xi32>, vector<16xi32>], vector<16xf32>,
      %mul3A_44 = arith.mulf %gather3A_42, %gather3A_43 : vector<16xf32>
      %add3A_45 = arith.addf %add3A_38, %mul3A_44 : vector<16xf32>
      %add3A_46 = arith.constant 32 : i32
      %add3A_47 = vector.broadcast %add3A_46 : i32 to vector<16xi32>
      %add3A_48 = arith.addi %iota3A, %add3A_47 : vector<16xi32>
      %gather3A_49 = tpu.vector_load_idx %arg7[%add3A_48, %broadcast_in_dim3A] : memref<64x128xf32, #tpu.memory_space<vmem>>[vector<16xi32>, vector<16xi32>], vector<16xf32>,
      %gather3A_50 = tpu.vector_load_idx %arg8[%add3A_48, %broadcast_in_dim3A_32] : memref<64x128xf32, #tpu.memory_space<vmem>>[vector<16xi32>, vector<16xi32>], vector<16xf32>,
      %mul3A_51 = arith.mulf %gather3A_49, %gather3A_50 : vector<16xf32>
      %add3A_52 = arith.addf %add3A_45, %mul3A_51 : vector<16xf32>
      %add3A_53 = arith.constant 48 : i32
      %add3A_54 = vector.broadcast %add3A_53 : i32 to vector<16xi32>
      %add3A_55 = arith.addi %iota3A, %add3A_54 : vector<16xi32>
      %gather3A_56 = tpu.vector_load_idx %arg7[%add3A_55, %broadcast_in_dim3A] : memref<64x128xf32, #tpu.memory_space<vmem>>[vector<16xi32>, vector<16xi32>], vector<16xf32>,
      %gather3A_57 = tpu.vector_load_idx %arg8[%add3A_55, %broadcast_in_dim3A_32] : memref<64x128xf32, #tpu.memory_space<vmem>>[vector<16xi32>, vector<16xi32>], vector<16xf32>,
      %mul3A_58 = arith.mulf %gather3A_56, %gather3A_57 : vector<16xf32>
      %add3A_59 = arith.addf %add3A_52, %mul3A_58 : vector<16xf32>
      %iota3A_60 = tpu.iota {dimensions = array<i32: 0>} : vector<16xi32>
      %xor3A = arith.constant 8 : i32
      %xor3A_61 = vector.broadcast %xor3A : i32 to vector<16xi32>
      %xor3A_62 = arith.xori %iota3A_60, %xor3A_61 : vector<16xi32>
      %broadcast_in_dim3A_63 = vector.shape_cast %xor3A_62 : vector<16xi32> to vector<16x1xi32>
      %gather3A_64 = vector.shape_cast %broadcast_in_dim3A_63 : vector<16x1xi32> to vector<16xi32>
      %gather3A_65 = tpu.dynamic_gather %add3A_59[%gather3A_64] in [0] : vector<16xf32>, vector<16xi32> -> vector<16xf32>
      %add3A_66 = arith.addf %add3A_59, %gather3A_65 : vector<16xf32>
      %xor3A_67 = arith.constant 4 : i32
      %xor3A_68 = vector.broadcast %xor3A_67 : i32 to vector<16xi32>
      %xor3A_69 = arith.xori %iota3A_60, %xor3A_68 : vector<16xi32>
      %broadcast_in_dim3A_70 = vector.shape_cast %xor3A_69 : vector<16xi32> to vector<16x1xi32>
      %gather3A_71 = vector.shape_cast %broadcast_in_dim3A_70 : vector<16x1xi32> to vector<16xi32>
      %gather3A_72 = tpu.dynamic_gather %add3A_66[%gather3A_71] in [0] : vector<16xf32>, vector<16xi32> -> vector<16xf32>
      %add3A_73 = arith.addf %add3A_66, %gather3A_72 : vector<16xf32>
      %xor3A_74 = arith.constant 2 : i32
      %xor3A_75 = vector.broadcast %xor3A_74 : i32 to vector<16xi32>
      %xor3A_76 = arith.xori %iota3A_60, %xor3A_75 : vector<16xi32>
      %broadcast_in_dim3A_77 = vector.shape_cast %xor3A_76 : vector<16xi32> to vector<16x1xi32>
      %gather3A_78 = vector.shape_cast %broadcast_in_dim3A_77 : vector<16x1xi32> to vector<16xi32>
      %gather3A_79 = tpu.dynamic_gather %add3A_73[%gather3A_78] in [0] : vector<16xf32>, vector<16xi32> -> vector<16xf32>
      %add3A_80 = arith.addf %add3A_73, %gather3A_79 : vector<16xf32>
      %xor3A_81 = arith.constant 1 : i32
      %xor3A_82 = vector.broadcast %xor3A_81 : i32 to vector<16xi32>
      %xor3A_83 = arith.xori %iota3A_60, %xor3A_82 : vector<16xi32>
      %broadcast_in_dim3A_84 = vector.shape_cast %xor3A_83 : vector<16xi32> to vector<16x1xi32>
      %gather3A_85 = vector.shape_cast %broadcast_in_dim3A_84 : vector<16x1xi32> to vector<16xi32>
      %gather3A_86 = tpu.dynamic_gather %add3A_80[%gather3A_85] in [0] : vector<16xf32>, vector<16xi32> -> vector<16xf32>
      %add3A_87 = arith.addf %add3A_80, %gather3A_86 : vector<16xf32>
      %swap3A = arith.constant 0 : index
      %swap3A_88 = tpu.vector_load %arg9[%swap3A] {strides = array<i32>} : memref<16xf32, #tpu.memory_space<vmem>>, vector<16xf32>,
      tpu.vector_store %arg9[%swap3A], %add3A_87 {strides = array<i32>} : memref<16xf32, #tpu.memory_space<vmem>>, vector<16xf32>,
      "tpu.region"() ({
        %run_scoped3A = tpu.sem_alloc : memref<!tpu.dma_semaphore, #tpu.memory_space<semaphore_mem>>
        tpu.enqueue_dma source(%arg9 : memref<16xf32, #tpu.memory_space<vmem>>) target(%arg5 : memref<16xf32, #tpu.memory_space<hbm>>) target_semaphore(%run_scoped3A : memref<!tpu.dma_semaphore, #tpu.memory_space<semaphore_mem>>)
        tpu.wait_dma2 semaphore(%run_scoped3A : memref<!tpu.dma_semaphore, #tpu.memory_space<semaphore_mem>>) src(%arg9 : memref<16xf32, #tpu.memory_space<vmem>>) dst(%arg5 : memref<16xf32, #tpu.memory_space<hbm>>)
        tpu.yield
      }) : () -> ()
    } else {
    }
    return
  }
}

</mosaic_0001>

<sc_bundles>
// kernel: kernel.3.cloned.1.call-start
scs
__scs_entry_jumppad:
0x0: {  	(pc) =	sbr.rel $0x88, $3  }
0x1: {  	(tag) =	ssettag $0x0;
	lr =	simm.s32 $0x1  }
0x2: {  	[smem:$0x3F9D] =	sst lr;
	_ =	strace $0xD0000000  }
0x3: {  	_ = 	snop  }
0x4: {  	_ = 	snop  }
0x5: {  	_ = 	snop  }
0x6: {  	_ = 	snop  }
0x7: {  	_ = 	snop  }
__scs_overlays_trampoline_lowered:
0x8: {  	[smem:$0x3FAC] =	sst s0  }
0x9: {  	[smem:$0x3FAD] =	sst s1  }
0xa: {  	[smem:$0x3FAE] =	sst s2  }
0xb: {  	[smem:$0x3FAF] =	sst s3  }
0xc: {  	[smem:$0x3FB0] =	sst s4  }
0xd: {  	[smem:$0x3FB1] =	sst s5  }
0xe: {  	[smem:$0x3FB2] =	sst s6  }
0xf: {  	[smem:$0x3FB3] =	sst s7  }
0x10: {  	[smem:$0x3FB4] =	sst s8  }
0x11: {  	[smem:$0x3FB5] =	sst s9;
	s0 =	simm.s32 @!p0 $0x0  }
0x12: {  	s1 =	sld [smem:$0x3F9B];
	s0 =	simm.s32 @p0 $0x1  }
0x13: {  	[smem:$0x3FB6] =	sst s0;
	s0 =	simm.s32 @!p1 $0x0  }
0x14: {  	s2 =	sld [smem:$0x3F9A];
	s0 =	simm.s32 @p1 $0x1  }
0x15: {  	[smem:$0x3FB7] =	sst s0;
	s0 =	simm.s32 @!p2 $0x0  }
0x16: {  	s3 =	sld [smem:$0x3FDB];
	s0 =	simm.s32 @p2 $0x1  }
0x17: {  	s4 =	simm.s32 $0x1BF5;
	[smem:$0x3FB9] =	sst s0  }
0x18: {  	s0 =	sld [smem:$0x3F9C];
	_ =	swait.ge [sflag:s4], $0x0  }
0x19: {  	s7 =	sld [smem:$0x3F9D]  }
0x1a: {  	s8 =	sadd.s32 $0xFFFFE003, lr  }
0x1b: {  	s9 =	sadd.s32 $0xFFFFFEF7, lr;
	s5 =	simm.s32 $0xFFFFFFFF;
	p2 =	slt.u32 s8, $0xFFFFF086  }
0x1c: {  	p1 =	slt.u32 s9, $0xF7A;
	s5 =	simm.s32 @!p2 $0x0  }
0x1d: {  	s5 =	simm.s32 @p1 $0x1;
	p0 =	seq.s32 s7, s2  }
0x1e: {  	s7 =	smul.u32 @!p0 $0xF7A, s2;
	p2 =	seq.s32 @!p0 s5, $0x0  }
0x1f: {  	s9 =	smul.u32 $0xF7A, s1;
	s8 =	simm.s32 @!p0 $0x1BF5;
	p2 =	por !p2, p0  }
0x20: {  	[sflag:s8] =	ssyncset.s32 @!p0 $0xFFFFF086;
	s6 =	sadd.s32 @!p0 s3, s7;
	s7 =	simm.s32 @!p0 $0x108  }
0x21: {  	s3 =	sadd.s32 s3, s9;
	s6 =	sadd.s32 @!p0 $0x88, s6;
	s7 =	simm.s32 @p2 $0x1082  }
0x22: {  	[simem:s7], [sflag:s8] =	dma.local @!p0 [hbm:s6], $0xF7A  }
0x23: {  	s9 =	sor.u32 $0xD0000000, s2;
	s6 =	simm.s32 $0x108;
	_ =	swait.ge @!p0 [sflag:s8], $0x0  }
0x24: {  	s3 =	sadd.s32 $0x88, s3;
	s6 =	simm.s32 @!p1 $0x1082;
	[sflag:s4] =	ssyncset.s32 $0xFFFFF086  }
0x25: {  	[simem:s6], [sflag:s4] =	dma.local [hbm:s3], $0xF7A  }
0x26: {  	[smem:$0x3F9D] =	sst s1;
	(tag) =	ssettag s2;
	_ =	strace s9  }
0x27: {  	s1 =	sld [smem:$0x3FAD]  }
0x28: {  	s2 =	sld [smem:$0x3FAE]  }
0x29: {  	s4 =	sld [smem:$0x3FB0]  }
0x2a: {  	p0 =	seq.s32 s5, $0x0;
	s5 =	sld [smem:$0x3FB1]  }
0x2b: {  	s6 =	sld [smem:$0x3FB2]  }
0x2c: {  	s7 =	sld [smem:$0x3FB3]  }
0x2d: {  	s3 =	simm.s32 $0x108;
	s8 =	sld [smem:$0x3FB4]  }
0x2e: {  	s3 =	simm.s32 @!p0 $0x1082;
	s9 =	sld [smem:$0x3FB5]  }
0x2f: {  	lr =	sadd.s32 s0, s3;
	s0 =	sld [smem:$0x3FAC]  }
0x30: {  	s3 =	sld [smem:$0x3FAF]  }
0x31: {  	[smem:$0x3FB8] =	sst s10  }
0x32: {  	s10 =	sld [smem:$0x3FB6];
	_ =	sdelay $0x3  }
0x33: {  	p0 =	seq.s32 s10, $0x1;
	s10 =	sld [smem:$0x3FB8];
	_ =	sdelay $0x3  }
0x34: {  	[smem:$0x3FB8] =	sst s10  }
0x35: {  	s10 =	sld [smem:$0x3FB7];
	_ =	sdelay $0x3  }
0x36: {  	p1 =	seq.s32 s10, $0x1;
	s10 =	sld [smem:$0x3FB8];
	_ =	sdelay $0x3  }
0x37: {  	[smem:$0x3FB8] =	sst s10  }
0x38: {  	s10 =	sld [smem:$0x3FB9]  }
0x39: {  	_ = 	snop;
	(pc) =	sbr.ind lr, $3  }
0x3a: {  	_ = 	snop  }
0x3b: {  	_ = 	snop  }
0x3c: {  	p2 =	seq.s32 s10, $0x1;
	s10 =	sld [smem:$0x3FB8]  }
0x3d: {  	_ =	shalt  }
0x3e: {  	_ =	shalt  }
0x3f: {  	_ =	shalt  }
0x40: {  	_ =	shalt  }
0x41: {  	_ =	shalt  }
0x42: {  	_ =	shalt  }
0x43: {  	_ =	shalt  }
0x44: {  	_ =	shalt  }
0x45: {  	_ =	shalt  }
0x46: {  	_ =	shalt  }
0x47: {  	_ =	shalt  }
0x48: {  	_ =	shalt  }
0x49: {  	_ =	shalt  }
0x4a: {  	_ =	shalt  }
0x4b: {  	_ =	shalt  }
0x4c: {  	_ =	shalt  }
0x4d: {  	_ =	shalt  }
0x4e: {  	_ =	shalt  }
0x4f: {  	_ =	shalt  }
0x50: {  	_ =	shalt  }
0x51: {  	_ =	shalt  }
0x52: {  	_ =	shalt  }
0x53: {  	_ =	shalt  }
0x54: {  	_ =	shalt  }
0x55: {  	_ =	shalt  }
0x56: {  	_ =	shalt  }
0x57: {  	_ =	shalt  }
0x58: {  	_ =	shalt  }
0x59: {  	_ =	shalt  }
0x5a: {  	_ =	shalt  }
0x5b: {  	_ =	shalt  }
0x5c: {  	_ =	shalt  }
0x5d: {  	_ =	shalt  }
0x5e: {  	_ =	shalt  }
0x5f: {  	_ =	shalt  }
0x60: {  	_ =	shalt  }
0x61: {  	_ =	shalt  }
0x62: {  	_ =	shalt  }
0x63: {  	_ =	shalt  }
0x64: {  	_ =	shalt  }
0x65: {  	_ =	shalt  }
0x66: {  	_ =	shalt  }
0x67: {  	_ =	shalt  }
0x68: {  	_ =	shalt  }
0x69: {  	_ =	shalt  }
0x6a: {  	_ =	shalt  }
0x6b: {  	_ =	shalt  }
0x6c: {  	_ =	shalt  }
0x6d: {  	_ =	shalt  }
0x6e: {  	_ =	shalt  }
0x6f: {  	_ =	shalt  }
0x70: {  	_ =	shalt  }
0x71: {  	_ =	shalt  }
0x72: {  	_ =	shalt  }
0x73: {  	_ =	shalt  }
0x74: {  	_ =	shalt  }
0x75: {  	_ =	shalt  }
0x76: {  	_ =	shalt  }
0x77: {  	_ =	shalt  }
0x78: {  	_ =	shalt  }
0x79: {  	_ =	shalt  }
0x7a: {  	_ =	shalt  }
0x7b: {  	_ =	shalt  }
0x7c: {  	_ =	shalt  }
0x7d: {  	_ =	shalt  }
0x7e: {  	_ =	shalt  }
0x7f: {  	_ =	shalt  }
0x80: {  	_ =	shalt  }
0x81: {  	_ =	shalt  }
0x82: {  	_ =	shalt  }
0x83: {  	_ =	shalt  }
0x84: {  	_ =	shalt  }
0x85: {  	_ =	shalt  }
0x86: {  	_ =	shalt  }
0x87: {  	_ =	shalt  }
.Lfunc_end0:
.L_simem_size_0:
called_computation_lowered:
.L_overlay_start_0:
0x88: {  	s0 =	sld [smem:$0x3FD9]  }
0x89: {  	s1 =	sld [smem:$0x3FFE];
	_ =	sdelay $0x3  }
0x8a: {  	s0 =	sadd.s32 s1, s0  }
0x8b: {  	[smem:$0x3FC4] =	sst s0  }
0x8c: {  	_ = 	snop  }
0x8d: {  	s0 =	sld [smem:$0x3FC9]  }
0x8e: {  	s16 =	sld [smem:$0x3FC8]  }
0x8f: {  	s2 =	sld [smem:$0x3FD0];
	(tm) =	ssettm $0x1  }
0x90: {  	s3 =	sld [smem:$0x3FFB];
	_ =	sdelay $0x3  }
0x91: {  	_ =	strace s3  }
0x92: {  	s3 =	sld [smem:$0x3FFC];
	_ =	sdelay $0x3  }
0x93: {  	_ =	strace s3  }
0x94: {  	s3 =	sld [smem:$0x3FFD];
	_ =	sdelay $0x3  }
0x95: {  	_ =	strace s3  }
0x96: {  	_ =	strace $0x8FFFFFFF  }
0x97: {  	s17 =	sld [smem:$0x3FDB];
	_ =	sdelay $0x1  }
0x98: {  	s4 =	simm.s32 $_scs_section_size  }
0x99: {  	s5 =	simm.s32 $_size__tile_overlayer_lowered;
	s6 =	simm.s32 $_tile_overlayer_lowered  }
0x9a: {  	s20 =	simm.s32 $0x1BFF;
	s19 =	sshll.u32 s6, $0x1;
	s3 =	sadd.s32 s4, s17  }
0x9b: {  	s7 =	simm.s32 $0x0;
	s18 =	sshll.u32 s5, $0x1;
	s5 =	sadd.s32 s19, s3  }
0x9c: {  	[timem:s7], [sflag:s20] =	dma.local [hbm:s5], s18  }
0x9d: {  	_ =	swait.ge [sflag:s20], s18  }
0x9e: {  	s4 =	ssub.s32 $0x0, s18;
	[sflag:s20] =	ssyncset.done $0x0  }
0x9f: {  	[sflag:s20] =	ssyncadd.s32 s4;
	_ =	sdelay $0x1  }
0xa0: {  	s21 =	simm.s32 $0x1B8B  }
0xa1: {  	_ =	swait.ge [sflag:s21], $0x1  }
0xa2: {  	[sflag:s21] =	ssyncset.done $0x0  }
0xa3: {  	s23 =	simm.s32 $0x1B8E;
	s22 =	sld [smem:$0x3FFE];
	[sflag:s21] =	ssyncadd.s32 $0xFFFFFFFF  }
0xa4: {  	s24 =	simm.s32 $execute0_lowered;
	[smem:$0x3FD2] =	sst s23  }
0xa5: {  	s5 =	sshll.u32 s24, $0x1;
	_ =	strace $0x80000046;
	[dreg:$0x1] =	wrdreg $0xFFFFFFFF  }
0xa6: {  	s25 =	simm.s32 $_size_execute0_lowered;
	s3 =	sadd.s32 s3, s5;
	[dreg:$0x0] =	wrdreg $0x0  }
0xa7: {  	s5 =	sshll.u32 s25, $0x1;
	[dreg:$0x2] =	wrdreg s3  }
0xa8: {  	[dreg:$0x3] =	wrdreg s5  }
0xa9: {  	[dreg:$0x4] =	wrdreg $0xC0  }
0xaa: {  	_ =	task [dreg:s7], $0x5FFFF  }
0xab: {  	[dreg:$0x1] =	wrdreg $0xFFFFFFFF  }
0xac: {  	[dreg:$0x0] =	wrdreg $0x60  }
0xad: {  	[dreg:$0x2] =	wrdreg s0  }
0xae: {  	[dreg:$0x3] =	wrdreg s16  }
0xaf: {  	[dreg:$0x4] =	wrdreg s22  }
0xb0: {  	[dreg:$0x5] =	wrdreg s2  }
0xb1: {  	[dreg:$0x6] =	wrdreg $0x9  }
0xb2: {  	_ =	task.clear_ibuf [dreg:s7], $0x7FFFF;
	_ =	strace $0x90000046  }
0xb3: {  	s26 =	simm.s32 $0x9;
	_ =	strace $0x80000048  }
0xb4: {  	_ =	swait.ge [sflag:s26], $0x1  }
0xb5: {  	[sflag:s26] =	ssyncadd.s32 $0xFFFFFFFF  }
0xb6: {  	_ =	strace $0x90000048  }
0xb7: {  	_ =	sfence  }
0xb8: {  	s28 =	sld [smem:$0x0];
	_ =	sdelay $0x1  }
0xb9: {  	s29 =	srdreg.scid  }
0xba: {  	s30 =	sshll.u32 s29, $0xD;
	s31 =	sshrl.u32 s29, $0x2  }
0xbb: {  	s1 =	sand.u32 $0x1, s29;
	s2 =	sand.u32 $0x4000, s30;
	s0 =	sadd.s32 s31, s28  }
0xbc: {  	s1 =	sor.u32 s2, s1;
	s0 =	sshll.u32 s0, $0x11  }
0xbd: {  	s0 =	sor.u32 s0, s1  }
0xbe: {  	s0 =	sadd.s32 $0x8F2B, s0  }
0xbf: {  	[sflag:s0] =	ssyncadd.remote.s32 $0x1  }
0xc0: {  	_ =	sfence.sel $0xFFFF  }
0xc1: {  	[dreg:$0x0] =	wrdreg $0xFFFFFFFF;
	(pc) =	sbr.abs _section_cstart, $3  }
0xc2: {  	[dreg:$0x1] =	wrdreg $0xFFFFFFFF  }
0xc3: {  	_ =	task.clear_ibuf [dreg:s7], $0x2FFFF;
	_ =	strace $0x9FFFFFFF  }
0xc4: {  	(tm) =	ssettm $0x7FFFFFFF  }
0xc5: {  	_ =	shalt  }
tec
execute0_lowered:
.L_overlay_start_1:
0x0: {  	(tag) =	ssettag $0x1  }
0x1: {  	s5 =	rddreg [dreg:$0x0]  }
0x2: {  	s4 =	rddreg [dreg:$0x1]  }
0x3: {  	s3 =	rddreg [dreg:$0x2]  }
0x4: {  	s1 =	rddreg [dreg:$0x3];
	s2 =	simm.s32 $0x0  }
0x5: {  	s6 =	stileid.u32;
	[smem:$0x7FF] =	sst s2  }
0x6: {  	s0 =	rddreg [dreg:$0x4];
	p0 =	sne.s32 s6, $0x0;
	_ =	strace $0x80000047  }
0x7: {  	_ =	sfence.sel @p0 $0x180000  }
0x8: {  	[bflag:$0x0] =	sbarrier.arrive @p0 $0xFFFF  }
0x9: {  	_ =	strace @p0 $0x90000047  }
0xa: {  	[bflag:$0x2] =	sbarrier.arrive @p0 $0xFFFF  }
0xb: {  	_ =	shalt @p0  }
.LBB2_1:
0xc: {  	s3 =	sadd.s32 $0x400, s3;
	s23 =	simm.s32 $0x3  }
0xd: {  	[tilespmem:s2], [sflag:$0x3] =	stream.linear.gather [hbm4b:s3+s2], $0x80, $0x38;
	[tilespmem:$0x4100] =	vst v63  }
0xe: {  	_ =	swait.ge [sflag:s23], $0x80  }
0xf: {  	[sflag:s23] =	ssyncset.done $0x0  }
0x10: {  	[sflag:s23] =	ssyncadd.s32 $0xFFFFFF80  }
0x11: {  	v0 =	vld [tilespmem:$0x0];
	_ =	sdelay $0x4  }
0x12: {  	(v2sf) =	vpush v0, $0x0  }
0x13: {  	(v2sf) =	vpush v0, $0x1;
	_ =	sdelay $0xd  }
0x14: {  	s24 =	simm.s32 $0x400;
	s6 =	spop (v2sf)  }
0x15: {  	s9 =	simm.s32 $0xC3800;
	s7 =	sand.u32 $0xFFFFF80, s6;
	s8 =	spop (v2sf)  }
0x16: {  	s10 =	simm.s32 $0x80;
	s5 =	sadd.s32 s5, s7;
	s25 =	sand.u32 $0xFFFFF80, s8  }
0x17: {  	[tilespmem:s10], [sflag:$0x1] =	stream.strided.gather [hbm4b:s5+s24], $0x2000, s9, s24, $0x38;
	[tilespmem:$0x4100] =	vst v63  }
0x18: {  	s26 =	simm.s32 $0x2080;
	v48 =	vlaneseq.u32;
	s28 =	simm.s32 $0x1;
	s4 =	sadd.s32 s4, s25  }
0x19: {  	v0 =	vmul.u32 $0x80, v48;
	[tilespmem:s26], [sflag:$0x2] =	stream.strided.gather [hbm4b:s4+s24], $0x2000, s9, s24, $0x38;
	[tilespmem:$0x4100] =	vst v63  }
0x1a: {  	s6 =	sand.u32 $0x7F, s6;
	_ =	swait.ge [sflag:s28], $0x2000  }
0x1b: {  	s29 =	sand.u32 $0x7F, s8;
	v1 =	vor.u32 s6, v0;
	[sflag:s28] =	ssyncset.done $0x0  }
0x1c: {  	s30 =	simm.s32 $0x2;
	v3 =	vor.u32 $0x800, v0;
	v2 =	vor.u32 s29, v0;
	[sflag:s28] =	ssyncadd.s32 $0xFFFFE000  }
0x1d: {  	v4 =	vor.u32 s6, v3;
	_ =	swait.ge [sflag:s30], $0x2000  }
0x1e: {  	v3 =	vor.u32 s29, v3;
	[sflag:s30] =	ssyncset.done $0x0  }
0x1f: {  	v5 =	vor.u32 $0x1000, v0;
	[sflag:s30] =	ssyncadd.s32 $0xFFFFE000  }
0x20: {  	v6 =	vor.u32 s6, v5;
	v1 =	vld.idx.msk [tilespmem:v1+s10+$0x0], $0xffff  }
0x21: {  	v5 =	vor.u32 s29, v5;
	v0 =	vor.u32 $0x1800, v0;
	v2 =	vld.idx.msk [tilespmem:v2+s26+$0x0], $0xffff  }
0x22: {  	v7 =	vor.u32 s6, v0;
	v4 =	vld.idx.msk [tilespmem:v4+s10+$0x0], $0xffff  }
0x23: {  	v0 =	vor.u32 s29, v0;
	v3 =	vld.idx.msk [tilespmem:v3+s26+$0x0], $0xffff;
	_ =	sdelay $0x1  }
0x24: {  	v6 =	vld.idx.msk [tilespmem:v6+s10+$0x0], $0xffff  }
0x25: {  	v49 =	vld.idx.msk [tilespmem:v5+s26+$0x0], $0xffff;
	v1 =	vmul.f32 v2, v1  }
0x26: {  	v50 =	vld.idx.msk [tilespmem:v7+s10+$0x0], $0xffff  }
0x27: {  	v0 =	vld.idx.msk [tilespmem:v0+s26+$0x0], $0xffff;
	v3 =	vmul.f32 v3, v4;
	v1 =	vadd.f32 $0.0e+00, v1  }
0x28: {  	v51 =	vimm.s32 $0xFEDCBA98  }
0x29: {  	v52 =	vimm.s32 $0x76543210;
	v1 =	vadd.f32 v3, v1;
	v3 =	vunpack.c.l.s4.s8 v51  }
0x2a: {  	v2 =	vmul.f32 v49, v6;
	v4 =	vunpack.c.l.s4.s8 v52  }
0x2b: {  	v56 =	vimm.s32 $0xBA98FEDC;
	v57 =	vimm.s32 $0x32107654;
	v53 =	vunpack.c.0.s8.s32 v3  }
0x2c: {  	v0 =	vmul.f32 v0, v50;
	v54 =	vunpack.c.0.s8.s32 v4;
	v1 =	vadd.f32 v2, v1  }
0x2d: {  	v2 =	vunpack.c.l.s4.s8 v56;
	v3 =	vunpack.c.l.s4.s8 v57;
	v55 =	vand.u32 $0xF, v53  }
0x2e: {  	v0 =	vadd.f32 v0, v1;
	v1 =	vcombine.low v55, v54  }
0x2f: {  	v2 =	vunpack.c.0.s8.s32 v2;
	v3 =	vunpack.c.0.s8.s32 v3  }
0x30: {  	v1 =	vperm.xlane v0, v1  }
0x31: {  	v59 =	vimm.s32 $0xDCFE98BA;
	v60 =	vimm.s32 $0x54761032;
	v58 =	vcombine.low v3, v2  }
0x32: {  	v2 =	vunpack.c.l.s4.s8 v59;
	v3 =	vunpack.c.l.s4.s8 v60;
	v0 =	vadd.f32 v0, v1  }
0x33: {  	v62 =	vimm.s32 $0x67452301  }
0x34: {  	v2 =	vunpack.c.0.s8.s32 v2;
	v3 =	vunpack.c.0.s8.s32 v3;
	v1 =	vperm.xlane v0, v58  }
0x35: {  	v61 =	vimm.s32 $0xEFCDAB89;
	v63 =	vunpack.c.l.s4.s8 v62  }
0x36: {  	v2 =	vcombine.low v3, v2;
	v0 =	vadd.f32 v0, v1;
	v1 =	vunpack.c.l.s4.s8 v61;
	_ =	sdelay $0x1  }
0x37: {  	v3 =	vunpack.c.0.s8.s32 v63;
	v2 =	vperm.xlane v0, v2;
	v1 =	vunpack.c.0.s8.s32 v1;
	_ =	sdelay $0x1  }
0x38: {  	v0 =	vadd.f32 v0, v2;
	v1 =	vcombine.low v3, v1;
	_ =	sdelay $0x1  }
0x39: {  	v1 =	vperm.xlane v0, v1;
	_ =	sdelay $0x1  }
0x3a: {  	v0 =	vadd.f32 v0, v1;
	_ =	sdelay $0x1  }
0x3b: {  	s31 =	simm.s32 $0x4080;
	[tilespmem:$0x4080] =	vst v0  }
0x3c: {  	[hbm4b:s1+s2] =	stream.linear.scatter [tilespmem:s31], [sflag:$0x3], $0x80, $0x38;
	[tilespmem:$0x4100] =	vst v63  }
0x3d: {  	_ =	swait.ge [sflag:s23], $0x80  }
0x3e: {  	[sflag:s23] =	ssyncset.done $0x0  }
0x3f: {  	[sflag:s23] =	ssyncadd.s32 $0xFFFFFF80  }
0x40: {  	_ =	sfence.sel $0x180000  }
0x41: {  	[bflag:$0x0] =	sbarrier.arrive $0xFFFF  }
0x42: {  	_ =	strace $0x90000047  }
0x43: {  	s0 =	sadd.s32 $0x100000, s0;
	[bflag:$0x2] =	sbarrier.arrive $0xFFFF  }
0x44: {  	[sflag:s0] =	ssyncadd.tile.s32 $0x1;
	_ =	shalt  }
.Lfunc_end2:
_tile_overlayer_lowered:
.L_overlay_start_2:
0x45: {  	(tag) =	ssettag $0x2  }
0x46: {  	s0 =	rddreg [dreg:$0x0];
	s2 =	stileid.u32  }
0x47: {  	s1 =	rddreg [dreg:$0x1];
	p0 =	sne.s32 s2, $0x0  }
0x48: {  	s3 =	rddreg [dreg:$0x2];
	[bflag:$0x3] =	sbarrier.arrive $0xFFFF;
	s2 =	simm.s32 @!p0 $0x1C03  }
0x49: {  	[timem:s3], [sflag:s2] =	dma.local @!p0 [hbm:s0], s1  }
0x4a: {  	s0 =	simm.s32 @!p0 $0x3  }
0x4b: {  	_ =	swait.ge @!p0 [sflag:s0], s1  }
0x4c: {  	s1 =	ssub.s32 @!p0 $0x0, s1;
	[sflag:s0] =	ssyncset.done @!p0 $0x0  }
0x4d: {  	[sflag:s0] =	ssyncadd.s32 @!p0 s1  }
0x4e: {  	[bflag:$0x3] =	sbarrier.arrive $0xFFFF  }
0x4f: {  	_ =	shalt  }

</sc_bundles>
